<compile_context>
chip_gen: v7x
topology: tpu7x:2x2x1
jax: 0.10.2.dev20260603
libtpu: 0.0.44.dev20260713+nightly
codegen_flags: <defaults>
</compile_context>

<pallas_src>
import functools

import jax
import jax.numpy as jnp
from jax import lax
from jax.experimental import pallas as pl
from jax.experimental.pallas import tpu as pltpu
from jax.experimental.pallas import tpu_sc as plsc

_N_BINS = 15
_L = 16
_ROWS, _COLS = 16384, 2048
_NW = 32
_STRIPE = _ROWS // _NW

_mesh = plsc.VectorSubcoreMesh(core_axis_name="c", subcore_axis_name="s")


@functools.partial(
    pl.kernel,
    mesh=_mesh,
    out_type=(
        jax.ShapeDtypeStruct((_ROWS, _COLS), jnp.float32),
        jax.ShapeDtypeStruct((1,), jnp.float32),
        jax.ShapeDtypeStruct((1,), jnp.float32),
        jax.ShapeDtypeStruct((_N_BINS,), jnp.float32),
    ),
    scratch_types=[
        pltpu.VMEM((_L,), jnp.float32),
        pltpu.VMEM((_L,), jnp.float32),
        pltpu.VMEM((_L,), jnp.float32),
        pltpu.VMEM((_L,), jnp.float32),
        pltpu.VMEM((_L,), jnp.float32),
        pltpu.VMEM((_L,), jnp.float32),
        pltpu.SemaphoreType.DMA,
        pltpu.SemaphoreType.DMA,
    ],
    compiler_params=pltpu.CompilerParams(needs_layout_passes=False),
)
def _sc_forward(temp_hbm, bc_hbm, bt_hbm, x_hbm,
                xout_hbm, ece_hbm, tout_hbm, acc_hbm,
                bc_v, bt_v, t_v, acc_v, ece_v, tout_v, sem, xsem):
    wid = lax.axis_index("s") * 2 + lax.axis_index("c")
    base = wid * _STRIPE
    cp_x = pltpu.make_async_copy(x_hbm.at[pl.ds(base, _STRIPE)],
                                 xout_hbm.at[pl.ds(base, _STRIPE)], xsem)
    cp_x.start()

    @pl.when(wid == 0)
    def _():
        zero = jnp.zeros((_L,), jnp.float32)
        bc_v[...] = zero
        bt_v[...] = zero
        cp_bc = pltpu.make_async_copy(bc_hbm, bc_v.at[pl.ds(0, _N_BINS)], sem)
        cp_bt = pltpu.make_async_copy(bt_hbm, bt_v.at[pl.ds(0, _N_BINS)], sem)
        cp_t = pltpu.make_async_copy(temp_hbm, t_v.at[pl.ds(0, 1)], sem)
        cp_bc.start()
        cp_bt.start()
        cp_t.start()
        cp_bc.wait()
        cp_bt.wait()
        cp_t.wait()

        bc = bc_v[...]
        bt = bt_v[...]
        acc = bc / (bt + 1e-8)
        lane = lax.iota(jnp.int32, _L)
        mask = lane < _N_BINS
        conf = lane.astype(jnp.float32) * (1.0 / (_N_BINS - 1)) + (0.5 / _N_BINS)
        btm = jnp.where(mask, bt, 0.0)
        n = jnp.sum(btm)
        s = jnp.sum(jnp.where(mask, bt * jnp.abs(acc - conf), 0.0))
        nv = jnp.full((_L,), n)
        sv = jnp.full((_L,), s)
        ece = jnp.where(nv > 0.0, sv / jnp.maximum(nv, 1e-8), 0.0)
        acc_v[...] = acc
        ece_v[...] = ece
        tout_v[...] = jnp.clip(t_v[...], 0.1, 10.0)

        cp_acc = pltpu.make_async_copy(acc_v.at[pl.ds(0, _N_BINS)], acc_hbm, sem)
        cp_ece = pltpu.make_async_copy(ece_v.at[pl.ds(0, 1)], ece_hbm, sem)
        cp_to = pltpu.make_async_copy(tout_v.at[pl.ds(0, 1)], tout_hbm, sem)
        cp_acc.start()
        cp_ece.start()
        cp_to.start()
        cp_acc.wait()
        cp_ece.wait()
        cp_to.wait()

    cp_x.wait()


def kernel(x, temperature, platt_a, platt_b, bin_correct, bin_total):
    xout, ece, temp, acc = _sc_forward(
        temperature.reshape(1), bin_correct, bin_total, x)
    return (xout, ece.reshape(()), temp.reshape(()), acc)

# --- scband reference (transcript-rebuilt; emitter-appended) ---
"""Pipeline reference for scband-calibration-monitor-80582176407862 (READ-ONLY COPY).

The authoritative reference and input builder live on the scoring server;
editing this copy changes nothing except your own understanding.
"""

import jax, jax.numpy as jnp
import numpy as np

N_BINS = 15

def setup_inputs(seed: int = 0) -> dict:
    key = jax.random.key(seed)
    k1, k2, k3 = jax.random.split(key, 3)
    x = jax.random.normal(k1, (16384, 2048), dtype=jnp.float32)
    # Buffers (module state). In the torch module they start at zero and are
    # filled by update(); we materialize nontrivial running counts so the
    # forward stats are nonzero.
    bin_correct = jax.random.uniform(k2, (N_BINS,), dtype=jnp.float32) * 500.0
    bin_total = bin_correct + jax.random.uniform(k3, (N_BINS,), dtype=jnp.float32) * 500.0
    temperature = jnp.asarray(1.0, dtype=jnp.float32)
    platt_a = jnp.ones((1,), dtype=jnp.float32)
    platt_b = jnp.zeros((1,), dtype=jnp.float32)
    return {"x": x, "temperature": temperature, "platt_a": platt_a,
            "platt_b": platt_b, "bin_correct": bin_correct, "bin_total": bin_total}

def reference(x, temperature, platt_a, platt_b, bin_correct, bin_total):
    # forward(x) -> (x, stats). Stats derived from calibration buffers exactly
    # as the torch module computes them (ece formula from update()).
    acc = bin_correct / (bin_total + 1e-08)
    conf = jnp.linspace(0.0, 1.0, N_BINS) + 0.5 / N_BINS
    n = bin_total.sum()
    ece = jnp.where(n > 0,
                    (bin_total / jnp.maximum(n, 1e-08) * jnp.abs(acc - conf)).sum(),
                    jnp.asarray(0.0, dtype=jnp.float32))
    temp = jnp.clip(temperature, 0.1, 10.0)
    return (x, ece, temp, acc)

if __name__ == "__main__":
    import jax
    _d = setup_inputs()
    print(jax.jit(kernel)(*tuple(_d.values())))

</pallas_src>

<mosaic_0001>
#map = affine_map<(d0, d1) -> (0)>
#map1 = affine_map<(d0, d1) -> (0, 0)>
module attributes {stable_mosaic.version = 14 : i64} {
  func.func @_sc_forward(%arg0: i32, %arg1: i32, %arg2: memref<1xf32, #tpu.memory_space<hbm>>, %arg3: memref<15xf32, #tpu.memory_space<hbm>>, %arg4: memref<15xf32, #tpu.memory_space<hbm>>, %arg5: memref<16384x2048xf32, #tpu.memory_space<hbm>>, %arg6: memref<16384x2048xf32, #tpu.memory_space<hbm>>, %arg7: memref<1xf32, #tpu.memory_space<hbm>>, %arg8: memref<1xf32, #tpu.memory_space<hbm>>, %arg9: memref<15xf32, #tpu.memory_space<hbm>>, %arg10: memref<16xf32, #tpu.memory_space<vmem>>, %arg11: memref<16xf32, #tpu.memory_space<vmem>>, %arg12: memref<16xf32, #tpu.memory_space<vmem>>, %arg13: memref<16xf32, #tpu.memory_space<vmem>>, %arg14: memref<16xf32, #tpu.memory_space<vmem>>, %arg15: memref<16xf32, #tpu.memory_space<vmem>>, %arg16: memref<!tpu.dma_semaphore, #tpu.memory_space<semaphore_mem>>, %arg17: memref<!tpu.dma_semaphore, #tpu.memory_space<semaphore_mem>>) attributes {dimension_semantics = [#tpu.dimension_semantics<core_parallel>, #tpu.dimension_semantics<subcore_parallel>], iteration_bounds = array<i64: 2, 16>, scalar_prefetch = 0 : i64, scratch_operands = 8 : i64, tpu.core_type = #tpu.core_type<sc_vector_subcore>, window_params = [{transform_indices = #map}, {transform_indices = #map}, {transform_indices = #map}, {transform_indices = #map1}, {transform_indices = #map1}, {transform_indices = #map}, {transform_indices = #map}, {transform_indices = #map}]} {
    %mul3A = arith.constant 2 : i32
    %mul3A_0 = arith.muli %arg1, %mul3A : i32
    %add3A = arith.addi %mul3A_0, %arg0 : i32
    %mul3A_1 = arith.constant 512 : i32
    %mul3A_2 = arith.muli %add3A, %mul3A_1 : i32
    %dma_start3A = arith.constant 0 : i32
    %dma_start3A_3 = tpu.memref_slice %arg6[%mul3A_2, %dma_start3A] : memref<16384x2048xf32, #tpu.memory_space<hbm>> -> memref<512x2048xf32, #tpu.memory_space<hbm>>
    %dma_start3A_4 = arith.constant 0 : i32
    %dma_start3A_5 = tpu.memref_slice %arg5[%mul3A_2, %dma_start3A_4] : memref<16384x2048xf32, #tpu.memory_space<hbm>> -> memref<512x2048xf32, #tpu.memory_space<hbm>>
    tpu.enqueue_dma source(%dma_start3A_5 : memref<512x2048xf32, #tpu.memory_space<hbm>>) target(%dma_start3A_3 : memref<512x2048xf32, #tpu.memory_space<hbm>>) target_semaphore(%arg17 : memref<!tpu.dma_semaphore, #tpu.memory_space<semaphore_mem>>)
    %eq3A = arith.constant 0 : i32
    %eq3A_6 = arith.cmpi eq, %add3A, %eq3A : i32
    %convert_element_type3A = arith.extui %eq3A_6 : i1 to i32
    %cond3A = arith.constant 0 : i32
    %cond3A_7 = arith.cmpi ne, %convert_element_type3A, %cond3A : i32
    scf.if %cond3A_7 {
      %broadcast_in_dim3A = arith.constant 0.000000e+00 : f32
      %broadcast_in_dim3A_11 = vector.broadcast %broadcast_in_dim3A : f32 to vector<16xf32>
      %swap3A = arith.constant 0 : index
      %swap3A_12 = tpu.vector_load %arg10[%swap3A] {strides = array<i32>} : memref<16xf32, #tpu.memory_space<vmem>>, vector<16xf32>,
      tpu.vector_store %arg10[%swap3A], %broadcast_in_dim3A_11 {strides = array<i32>} : memref<16xf32, #tpu.memory_space<vmem>>, vector<16xf32>,
      %swap3A_13 = arith.constant 0 : index
      %swap3A_14 = tpu.vector_load %arg11[%swap3A_13] {strides = array<i32>} : memref<16xf32, #tpu.memory_space<vmem>>, vector<16xf32>,
      tpu.vector_store %arg11[%swap3A_13], %broadcast_in_dim3A_11 {strides = array<i32>} : memref<16xf32, #tpu.memory_space<vmem>>, vector<16xf32>,
      %dma_start3A_15 = arith.constant 0 : i32
      %dma_start3A_16 = tpu.memref_slice %arg10[%dma_start3A_15] : memref<16xf32, #tpu.memory_space<vmem>> -> memref<15xf32, #tpu.memory_space<vmem>>
      %dma_start3A_17 = arith.constant 0 : i32
      %dma_start3A_18 = tpu.memref_slice %arg10[%dma_start3A_17] : memref<16xf32, #tpu.memory_space<vmem>> -> memref<15xf32, #tpu.memory_space<vmem>>
      tpu.enqueue_dma source(%arg3 : memref<15xf32, #tpu.memory_space<hbm>>) target(%dma_start3A_18 : memref<15xf32, #tpu.memory_space<vmem>>) target_semaphore(%arg16 : memref<!tpu.dma_semaphore, #tpu.memory_space<semaphore_mem>>)
      %dma_start3A_19 = arith.constant 0 : i32
      %dma_start3A_20 = tpu.memref_slice %arg11[%dma_start3A_19] : memref<16xf32, #tpu.memory_space<vmem>> -> memref<15xf32, #tpu.memory_space<vmem>>
      %dma_start3A_21 = arith.constant 0 : i32
      %dma_start3A_22 = tpu.memref_slice %arg11[%dma_start3A_21] : memref<16xf32, #tpu.memory_space<vmem>> -> memref<15xf32, #tpu.memory_space<vmem>>
      tpu.enqueue_dma source(%arg4 : memref<15xf32, #tpu.memory_space<hbm>>) target(%dma_start3A_22 : memref<15xf32, #tpu.memory_space<vmem>>) target_semaphore(%arg16 : memref<!tpu.dma_semaphore, #tpu.memory_space<semaphore_mem>>)
      %dma_start3A_23 = arith.constant 0 : i32
      %dma_start3A_24 = tpu.memref_slice %arg12[%dma_start3A_23] : memref<16xf32, #tpu.memory_space<vmem>> -> memref<1xf32, #tpu.memory_space<vmem>>
      %dma_start3A_25 = arith.constant 0 : i32
      %dma_start3A_26 = tpu.memref_slice %arg12[%dma_start3A_25] : memref<16xf32, #tpu.memory_space<vmem>> -> memref<1xf32, #tpu.memory_space<vmem>>
      tpu.enqueue_dma source(%arg2 : memref<1xf32, #tpu.memory_space<hbm>>) target(%dma_start3A_26 : memref<1xf32, #tpu.memory_space<vmem>>) target_semaphore(%arg16 : memref<!tpu.dma_semaphore, #tpu.memory_space<semaphore_mem>>)
      %dma_wait3A_27 = arith.constant 0 : i32
      %dma_wait3A_28 = tpu.memref_slice %arg10[%dma_wait3A_27] : memref<16xf32, #tpu.memory_space<vmem>> -> memref<15xf32, #tpu.memory_space<vmem>>
      %dma_wait3A_29 = arith.constant 0 : i32
      %dma_wait3A_30 = tpu.memref_slice %arg10[%dma_wait3A_29] : memref<16xf32, #tpu.memory_space<vmem>> -> memref<15xf32, #tpu.memory_space<vmem>>
      tpu.wait_dma2 semaphore(%arg16 : memref<!tpu.dma_semaphore, #tpu.memory_space<semaphore_mem>>) src(%arg3 : memref<15xf32, #tpu.memory_space<hbm>>) dst(%dma_wait3A_30 : memref<15xf32, #tpu.memory_space<vmem>>)
      %dma_wait3A_31 = arith.constant 0 : i32
      %dma_wait3A_32 = tpu.memref_slice %arg11[%dma_wait3A_31] : memref<16xf32, #tpu.memory_space<vmem>> -> memref<15xf32, #tpu.memory_space<vmem>>
      %dma_wait3A_33 = arith.constant 0 : i32
      %dma_wait3A_34 = tpu.memref_slice %arg11[%dma_wait3A_33] : memref<16xf32, #tpu.memory_space<vmem>> -> memref<15xf32, #tpu.memory_space<vmem>>
      tpu.wait_dma2 semaphore(%arg16 : memref<!tpu.dma_semaphore, #tpu.memory_space<semaphore_mem>>) src(%arg4 : memref<15xf32, #tpu.memory_space<hbm>>) dst(%dma_wait3A_34 : memref<15xf32, #tpu.memory_space<vmem>>)
      %dma_wait3A_35 = arith.constant 0 : i32
      %dma_wait3A_36 = tpu.memref_slice %arg12[%dma_wait3A_35] : memref<16xf32, #tpu.memory_space<vmem>> -> memref<1xf32, #tpu.memory_space<vmem>>
      %dma_wait3A_37 = arith.constant 0 : i32
      %dma_wait3A_38 = tpu.memref_slice %arg12[%dma_wait3A_37] : memref<16xf32, #tpu.memory_space<vmem>> -> memref<1xf32, #tpu.memory_space<vmem>>
      tpu.wait_dma2 semaphore(%arg16 : memref<!tpu.dma_semaphore, #tpu.memory_space<semaphore_mem>>) src(%arg2 : memref<1xf32, #tpu.memory_space<hbm>>) dst(%dma_wait3A_38 : memref<1xf32, #tpu.memory_space<vmem>>)
      %get3A = arith.constant 0 : index
      %get3A_39 = tpu.vector_load %arg10[%get3A] {strides = array<i32>} : memref<16xf32, #tpu.memory_space<vmem>>, vector<16xf32>,
      %get3A_40 = arith.constant 0 : index
      %get3A_41 = tpu.vector_load %arg11[%get3A_40] {strides = array<i32>} : memref<16xf32, #tpu.memory_space<vmem>>, vector<16xf32>,
      %add3A_42 = arith.constant 9.99999993E-9 : f32
      %add3A_43 = vector.broadcast %add3A_42 : f32 to vector<16xf32>
      %add3A_44 = arith.addf %get3A_41, %add3A_43 : vector<16xf32>
      %div3A = arith.divf %get3A_39, %add3A_44 : vector<16xf32>
      %iota3A = tpu.iota {dimensions = array<i32: 0>} : vector<16xi32>
      %lt3A = arith.constant 15 : i32
      %lt3A_45 = vector.broadcast %lt3A : i32 to vector<16xi32>
      %lt3A_46 = arith.cmpi slt, %iota3A, %lt3A_45 : vector<16xi32>
      %convert_element_type3A_47 = arith.sitofp %iota3A : vector<16xi32> to vector<16xf32>
      %mul3A_48 = arith.constant 0.0714285746 : f32
      %mul3A_49 = vector.broadcast %mul3A_48 : f32 to vector<16xf32>
      %mul3A_50 = arith.mulf %convert_element_type3A_47, %mul3A_49 : vector<16xf32>
      %add3A_51 = arith.constant 0.0333333351 : f32
      %add3A_52 = vector.broadcast %add3A_51 : f32 to vector<16xf32>
      %add3A_53 = arith.addf %mul3A_50, %add3A_52 : vector<16xf32>
      %jit3A = arith.constant 0.000000e+00 : f32
      %broadcast_in_dim3A_54 = vector.broadcast %jit3A : f32 to vector<16xf32>
      %select_n3A = arith.select %lt3A_46, %get3A_41, %broadcast_in_dim3A_54 : vector<16xi1>, vector<16xf32>
      %reduce_sum3A = arith.constant true
      %reduce_sum3A_55 = vector.broadcast %reduce_sum3A : i1 to vector<16xi1>
      %reduce_sum3A_56 = tpu.scan <sum>, %select_n3A masked %reduce_sum3A_55 : vector<16xf32>, vector<16xi1> -> vector<16xf32>
      %reduce_sum3A_57 = vector.extract %reduce_sum3A_56[15] : f32 from vector<16xf32>
      %sub3A = arith.subf %div3A, %add3A_53 : vector<16xf32>
      %abs3A = math.absf %sub3A : vector<16xf32>
      %mul3A_58 = arith.mulf %get3A_41, %abs3A : vector<16xf32>
      %jit3A_59 = arith.constant 0.000000e+00 : f32
      %broadcast_in_dim3A_60 = vector.broadcast %jit3A_59 : f32 to vector<16xf32>
      %select_n3A_61 = arith.select %lt3A_46, %mul3A_58, %broadcast_in_dim3A_60 : vector<16xi1>, vector<16xf32>
      %reduce_sum3A_62 = arith.constant true
      %reduce_sum3A_63 = vector.broadcast %reduce_sum3A_62 : i1 to vector<16xi1>
      %reduce_sum3A_64 = tpu.scan <sum>, %select_n3A_61 masked %reduce_sum3A_63 : vector<16xf32>, vector<16xi1> -> vector<16xf32>
      %reduce_sum3A_65 = vector.extract %reduce_sum3A_64[15] : f32 from vector<16xf32>
      %broadcast_in_dim3A_66 = vector.broadcast %reduce_sum3A_57 : f32 to vector<16xf32>
      %broadcast_in_dim3A_67 = vector.broadcast %reduce_sum3A_65 : f32 to vector<16xf32>
      %gt3A = arith.constant 0.000000e+00 : f32
      %gt3A_68 = vector.broadcast %gt3A : f32 to vector<16xf32>
      %gt3A_69 = arith.cmpf ogt, %broadcast_in_dim3A_66, %gt3A_68 : vector<16xf32>
      %max3A = arith.constant 9.99999993E-9 : f32
      %max3A_70 = vector.broadcast %max3A : f32 to vector<16xf32>
      %max3A_71 = arith.maximumf %broadcast_in_dim3A_66, %max3A_70 : vector<16xf32>
      %div3A_72 = arith.divf %broadcast_in_dim3A_67, %max3A_71 : vector<16xf32>
      %jit3A_73 = arith.constant 0.000000e+00 : f32
      %broadcast_in_dim3A_74 = vector.broadcast %jit3A_73 : f32 to vector<16xf32>
      %select_n3A_75 = arith.select %gt3A_69, %div3A_72, %broadcast_in_dim3A_74 : vector<16xi1>, vector<16xf32>
      %swap3A_76 = arith.constant 0 : index
      %swap3A_77 = tpu.vector_load %arg13[%swap3A_76] {strides = array<i32>} : memref<16xf32, #tpu.memory_space<vmem>>, vector<16xf32>,
      tpu.vector_store %arg13[%swap3A_76], %div3A {strides = array<i32>} : memref<16xf32, #tpu.memory_space<vmem>>, vector<16xf32>,
      %swap3A_78 = arith.constant 0 : index
      %swap3A_79 = tpu.vector_load %arg14[%swap3A_78] {strides = array<i32>} : memref<16xf32, #tpu.memory_space<vmem>>, vector<16xf32>,
      tpu.vector_store %arg14[%swap3A_78], %select_n3A_75 {strides = array<i32>} : memref<16xf32, #tpu.memory_space<vmem>>, vector<16xf32>,
      %get3A_80 = arith.constant 0 : index
      %get3A_81 = tpu.vector_load %arg12[%get3A_80] {strides = array<i32>} : memref<16xf32, #tpu.memory_space<vmem>>, vector<16xf32>,
      %jit3A_82 = arith.constant 1.000000e-01 : f32
      %jit3A_83 = arith.constant 1.000000e+01 : f32
      %max3A_84 = vector.broadcast %jit3A_82 : f32 to vector<16xf32>
      %max3A_85 = arith.maximumf %max3A_84, %get3A_81 : vector<16xf32>
      %min3A = vector.broadcast %jit3A_83 : f32 to vector<16xf32>
      %min3A_86 = arith.minimumf %min3A, %max3A_85 : vector<16xf32>
      %swap3A_87 = arith.constant 0 : index
      %swap3A_88 = tpu.vector_load %arg15[%swap3A_87] {strides = array<i32>} : memref<16xf32, #tpu.memory_space<vmem>>, vector<16xf32>,
      tpu.vector_store %arg15[%swap3A_87], %min3A_86 {strides = array<i32>} : memref<16xf32, #tpu.memory_space<vmem>>, vector<16xf32>,
      %dma_start3A_89 = arith.constant 0 : i32
      %dma_start3A_90 = tpu.memref_slice %arg13[%dma_start3A_89] : memref<16xf32, #tpu.memory_space<vmem>> -> memref<15xf32, #tpu.memory_space<vmem>>
      %dma_start3A_91 = arith.constant 0 : i32
      %dma_start3A_92 = tpu.memref_slice %arg13[%dma_start3A_91] : memref<16xf32, #tpu.memory_space<vmem>> -> memref<15xf32, #tpu.memory_space<vmem>>
      tpu.enqueue_dma source(%dma_start3A_92 : memref<15xf32, #tpu.memory_space<vmem>>) target(%arg9 : memref<15xf32, #tpu.memory_space<hbm>>) target_semaphore(%arg16 : memref<!tpu.dma_semaphore, #tpu.memory_space<semaphore_mem>>)
      %dma_start3A_93 = arith.constant 0 : i32
      %dma_start3A_94 = tpu.memref_slice %arg14[%dma_start3A_93] : memref<16xf32, #tpu.memory_space<vmem>> -> memref<1xf32, #tpu.memory_space<vmem>>
      %dma_start3A_95 = arith.constant 0 : i32
      %dma_start3A_96 = tpu.memref_slice %arg14[%dma_start3A_95] : memref<16xf32, #tpu.memory_space<vmem>> -> memref<1xf32, #tpu.memory_space<vmem>>
      tpu.enqueue_dma source(%dma_start3A_96 : memref<1xf32, #tpu.memory_space<vmem>>) target(%arg7 : memref<1xf32, #tpu.memory_space<hbm>>) target_semaphore(%arg16 : memref<!tpu.dma_semaphore, #tpu.memory_space<semaphore_mem>>)
      %dma_start3A_97 = arith.constant 0 : i32
      %dma_start3A_98 = tpu.memref_slice %arg15[%dma_start3A_97] : memref<16xf32, #tpu.memory_space<vmem>> -> memref<1xf32, #tpu.memory_space<vmem>>
      %dma_start3A_99 = arith.constant 0 : i32
      %dma_start3A_100 = tpu.memref_slice %arg15[%dma_start3A_99] : memref<16xf32, #tpu.memory_space<vmem>> -> memref<1xf32, #tpu.memory_space<vmem>>
      tpu.enqueue_dma source(%dma_start3A_100 : memref<1xf32, #tpu.memory_space<vmem>>) target(%arg8 : memref<1xf32, #tpu.memory_space<hbm>>) target_semaphore(%arg16 : memref<!tpu.dma_semaphore, #tpu.memory_space<semaphore_mem>>)
      %dma_wait3A_101 = arith.constant 0 : i32
      %dma_wait3A_102 = tpu.memref_slice %arg13[%dma_wait3A_101] : memref<16xf32, #tpu.memory_space<vmem>> -> memref<15xf32, #tpu.memory_space<vmem>>
      %dma_wait3A_103 = arith.constant 0 : i32
      %dma_wait3A_104 = tpu.memref_slice %arg13[%dma_wait3A_103] : memref<16xf32, #tpu.memory_space<vmem>> -> memref<15xf32, #tpu.memory_space<vmem>>
      tpu.wait_dma2 semaphore(%arg16 : memref<!tpu.dma_semaphore, #tpu.memory_space<semaphore_mem>>) src(%dma_wait3A_104 : memref<15xf32, #tpu.memory_space<vmem>>) dst(%arg9 : memref<15xf32, #tpu.memory_space<hbm>>)
      %dma_wait3A_105 = arith.constant 0 : i32
      %dma_wait3A_106 = tpu.memref_slice %arg14[%dma_wait3A_105] : memref<16xf32, #tpu.memory_space<vmem>> -> memref<1xf32, #tpu.memory_space<vmem>>
      %dma_wait3A_107 = arith.constant 0 : i32
      %dma_wait3A_108 = tpu.memref_slice %arg14[%dma_wait3A_107] : memref<16xf32, #tpu.memory_space<vmem>> -> memref<1xf32, #tpu.memory_space<vmem>>
      tpu.wait_dma2 semaphore(%arg16 : memref<!tpu.dma_semaphore, #tpu.memory_space<semaphore_mem>>) src(%dma_wait3A_108 : memref<1xf32, #tpu.memory_space<vmem>>) dst(%arg7 : memref<1xf32, #tpu.memory_space<hbm>>)
      %dma_wait3A_109 = arith.constant 0 : i32
      %dma_wait3A_110 = tpu.memref_slice %arg15[%dma_wait3A_109] : memref<16xf32, #tpu.memory_space<vmem>> -> memref<1xf32, #tpu.memory_space<vmem>>
      %dma_wait3A_111 = arith.constant 0 : i32
      %dma_wait3A_112 = tpu.memref_slice %arg15[%dma_wait3A_111] : memref<16xf32, #tpu.memory_space<vmem>> -> memref<1xf32, #tpu.memory_space<vmem>>
      tpu.wait_dma2 semaphore(%arg16 : memref<!tpu.dma_semaphore, #tpu.memory_space<semaphore_mem>>) src(%dma_wait3A_112 : memref<1xf32, #tpu.memory_space<vmem>>) dst(%arg8 : memref<1xf32, #tpu.memory_space<hbm>>)
    } else {
    }
    %dma_wait3A = arith.constant 0 : i32
    %dma_wait3A_8 = tpu.memref_slice %arg6[%mul3A_2, %dma_wait3A] : memref<16384x2048xf32, #tpu.memory_space<hbm>> -> memref<512x2048xf32, #tpu.memory_space<hbm>>
    %dma_wait3A_9 = arith.constant 0 : i32
    %dma_wait3A_10 = tpu.memref_slice %arg5[%mul3A_2, %dma_wait3A_9] : memref<16384x2048xf32, #tpu.memory_space<hbm>> -> memref<512x2048xf32, #tpu.memory_space<hbm>>
    tpu.wait_dma2 semaphore(%arg17 : memref<!tpu.dma_semaphore, #tpu.memory_space<semaphore_mem>>) src(%dma_wait3A_10 : memref<512x2048xf32, #tpu.memory_space<hbm>>) dst(%dma_wait3A_8 : memref<512x2048xf32, #tpu.memory_space<hbm>>)
    return
  }
}

</mosaic_0001>

<sc_bundles>
// kernel: kernel.3.cloned.1.call-start
scs
__scs_entry_jumppad:
0x0: {  	(pc) =	sbr.rel $0x88, $3  }
0x1: {  	(tag) =	ssettag $0x0;
	lr =	simm.s32 $0x1  }
0x2: {  	[smem:$0x3F9D] =	sst lr;
	_ =	strace $0xD0000000  }
0x3: {  	_ = 	snop  }
0x4: {  	_ = 	snop  }
0x5: {  	_ = 	snop  }
0x6: {  	_ = 	snop  }
0x7: {  	_ = 	snop  }
__scs_overlays_trampoline_lowered:
0x8: {  	[smem:$0x3FAC] =	sst s0  }
0x9: {  	[smem:$0x3FAD] =	sst s1  }
0xa: {  	[smem:$0x3FAE] =	sst s2  }
0xb: {  	[smem:$0x3FAF] =	sst s3  }
0xc: {  	[smem:$0x3FB0] =	sst s4  }
0xd: {  	[smem:$0x3FB1] =	sst s5  }
0xe: {  	[smem:$0x3FB2] =	sst s6  }
0xf: {  	[smem:$0x3FB3] =	sst s7  }
0x10: {  	[smem:$0x3FB4] =	sst s8  }
0x11: {  	[smem:$0x3FB5] =	sst s9;
	s0 =	simm.s32 @!p0 $0x0  }
0x12: {  	s1 =	sld [smem:$0x3F9B];
	s0 =	simm.s32 @p0 $0x1  }
0x13: {  	[smem:$0x3FB6] =	sst s0;
	s0 =	simm.s32 @!p1 $0x0  }
0x14: {  	s2 =	sld [smem:$0x3F9A];
	s0 =	simm.s32 @p1 $0x1  }
0x15: {  	[smem:$0x3FB7] =	sst s0;
	s0 =	simm.s32 @!p2 $0x0  }
0x16: {  	s3 =	sld [smem:$0x3FDB];
	s0 =	simm.s32 @p2 $0x1  }
0x17: {  	s4 =	simm.s32 $0x1BF5;
	[smem:$0x3FB9] =	sst s0  }
0x18: {  	s0 =	sld [smem:$0x3F9C];
	_ =	swait.ge [sflag:s4], $0x0  }
0x19: {  	s7 =	sld [smem:$0x3F9D]  }
0x1a: {  	s8 =	sadd.s32 $0xFFFFE003, lr  }
0x1b: {  	s9 =	sadd.s32 $0xFFFFFEF7, lr;
	s5 =	simm.s32 $0xFFFFFFFF;
	p2 =	slt.u32 s8, $0xFFFFF086  }
0x1c: {  	p1 =	slt.u32 s9, $0xF7A;
	s5 =	simm.s32 @!p2 $0x0  }
0x1d: {  	s5 =	simm.s32 @p1 $0x1;
	p0 =	seq.s32 s7, s2  }
0x1e: {  	s7 =	smul.u32 @!p0 $0xF7A, s2;
	p2 =	seq.s32 @!p0 s5, $0x0  }
0x1f: {  	s9 =	smul.u32 $0xF7A, s1;
	s8 =	simm.s32 @!p0 $0x1BF5;
	p2 =	por !p2, p0  }
0x20: {  	[sflag:s8] =	ssyncset.s32 @!p0 $0xFFFFF086;
	s6 =	sadd.s32 @!p0 s3, s7;
	s7 =	simm.s32 @!p0 $0x108  }
0x21: {  	s3 =	sadd.s32 s3, s9;
	s6 =	sadd.s32 @!p0 $0x88, s6;
	s7 =	simm.s32 @p2 $0x1082  }
0x22: {  	[simem:s7], [sflag:s8] =	dma.local @!p0 [hbm:s6], $0xF7A  }
0x23: {  	s9 =	sor.u32 $0xD0000000, s2;
	s6 =	simm.s32 $0x108;
	_ =	swait.ge @!p0 [sflag:s8], $0x0  }
0x24: {  	s3 =	sadd.s32 $0x88, s3;
	s6 =	simm.s32 @!p1 $0x1082;
	[sflag:s4] =	ssyncset.s32 $0xFFFFF086  }
0x25: {  	[simem:s6], [sflag:s4] =	dma.local [hbm:s3], $0xF7A  }
0x26: {  	[smem:$0x3F9D] =	sst s1;
	(tag) =	ssettag s2;
	_ =	strace s9  }
0x27: {  	s1 =	sld [smem:$0x3FAD]  }
0x28: {  	s2 =	sld [smem:$0x3FAE]  }
0x29: {  	s4 =	sld [smem:$0x3FB0]  }
0x2a: {  	p0 =	seq.s32 s5, $0x0;
	s5 =	sld [smem:$0x3FB1]  }
0x2b: {  	s6 =	sld [smem:$0x3FB2]  }
0x2c: {  	s7 =	sld [smem:$0x3FB3]  }
0x2d: {  	s3 =	simm.s32 $0x108;
	s8 =	sld [smem:$0x3FB4]  }
0x2e: {  	s3 =	simm.s32 @!p0 $0x1082;
	s9 =	sld [smem:$0x3FB5]  }
0x2f: {  	lr =	sadd.s32 s0, s3;
	s0 =	sld [smem:$0x3FAC]  }
0x30: {  	s3 =	sld [smem:$0x3FAF]  }
0x31: {  	[smem:$0x3FB8] =	sst s10  }
0x32: {  	s10 =	sld [smem:$0x3FB6];
	_ =	sdelay $0x3  }
0x33: {  	p0 =	seq.s32 s10, $0x1;
	s10 =	sld [smem:$0x3FB8];
	_ =	sdelay $0x3  }
0x34: {  	[smem:$0x3FB8] =	sst s10  }
0x35: {  	s10 =	sld [smem:$0x3FB7];
	_ =	sdelay $0x3  }
0x36: {  	p1 =	seq.s32 s10, $0x1;
	s10 =	sld [smem:$0x3FB8];
	_ =	sdelay $0x3  }
0x37: {  	[smem:$0x3FB8] =	sst s10  }
0x38: {  	s10 =	sld [smem:$0x3FB9]  }
0x39: {  	_ = 	snop;
	(pc) =	sbr.ind lr, $3  }
0x3a: {  	_ = 	snop  }
0x3b: {  	_ = 	snop  }
0x3c: {  	p2 =	seq.s32 s10, $0x1;
	s10 =	sld [smem:$0x3FB8]  }
0x3d: {  	_ =	shalt  }
0x3e: {  	_ =	shalt  }
0x3f: {  	_ =	shalt  }
0x40: {  	_ =	shalt  }
0x41: {  	_ =	shalt  }
0x42: {  	_ =	shalt  }
0x43: {  	_ =	shalt  }
0x44: {  	_ =	shalt  }
0x45: {  	_ =	shalt  }
0x46: {  	_ =	shalt  }
0x47: {  	_ =	shalt  }
0x48: {  	_ =	shalt  }
0x49: {  	_ =	shalt  }
0x4a: {  	_ =	shalt  }
0x4b: {  	_ =	shalt  }
0x4c: {  	_ =	shalt  }
0x4d: {  	_ =	shalt  }
0x4e: {  	_ =	shalt  }
0x4f: {  	_ =	shalt  }
0x50: {  	_ =	shalt  }
0x51: {  	_ =	shalt  }
0x52: {  	_ =	shalt  }
0x53: {  	_ =	shalt  }
0x54: {  	_ =	shalt  }
0x55: {  	_ =	shalt  }
0x56: {  	_ =	shalt  }
0x57: {  	_ =	shalt  }
0x58: {  	_ =	shalt  }
0x59: {  	_ =	shalt  }
0x5a: {  	_ =	shalt  }
0x5b: {  	_ =	shalt  }
0x5c: {  	_ =	shalt  }
0x5d: {  	_ =	shalt  }
0x5e: {  	_ =	shalt  }
0x5f: {  	_ =	shalt  }
0x60: {  	_ =	shalt  }
0x61: {  	_ =	shalt  }
0x62: {  	_ =	shalt  }
0x63: {  	_ =	shalt  }
0x64: {  	_ =	shalt  }
0x65: {  	_ =	shalt  }
0x66: {  	_ =	shalt  }
0x67: {  	_ =	shalt  }
0x68: {  	_ =	shalt  }
0x69: {  	_ =	shalt  }
0x6a: {  	_ =	shalt  }
0x6b: {  	_ =	shalt  }
0x6c: {  	_ =	shalt  }
0x6d: {  	_ =	shalt  }
0x6e: {  	_ =	shalt  }
0x6f: {  	_ =	shalt  }
0x70: {  	_ =	shalt  }
0x71: {  	_ =	shalt  }
0x72: {  	_ =	shalt  }
0x73: {  	_ =	shalt  }
0x74: {  	_ =	shalt  }
0x75: {  	_ =	shalt  }
0x76: {  	_ =	shalt  }
0x77: {  	_ =	shalt  }
0x78: {  	_ =	shalt  }
0x79: {  	_ =	shalt  }
0x7a: {  	_ =	shalt  }
0x7b: {  	_ =	shalt  }
0x7c: {  	_ =	shalt  }
0x7d: {  	_ =	shalt  }
0x7e: {  	_ =	shalt  }
0x7f: {  	_ =	shalt  }
0x80: {  	_ =	shalt  }
0x81: {  	_ =	shalt  }
0x82: {  	_ =	shalt  }
0x83: {  	_ =	shalt  }
0x84: {  	_ =	shalt  }
0x85: {  	_ =	shalt  }
0x86: {  	_ =	shalt  }
0x87: {  	_ =	shalt  }
.Lfunc_end0:
.L_simem_size_0:
called_computation_lowered:
.L_overlay_start_0:
0x88: {  	s2 =	sld [smem:$0x3FD9]  }
0x89: {  	s3 =	sld [smem:$0x3FFE];
	_ =	sdelay $0x1  }
0x8a: {  	s1 =	srdreg.scid  }
0x8b: {  	s0 =	sand.u32 $0x1, s1  }
0x8c: {  	s15 =	sshll.u32 s0, $0xA;
	s2 =	sadd.s32 s3, s2  }
0x8d: {  	s2 =	sadd.s32 s2, s15  }
0x8e: {  	[smem:$0x3FC4] =	sst s2  }
0x8f: {  	_ = 	snop  }
0x90: {  	s2 =	sld [smem:$0x3FC9]  }
0x91: {  	s16 =	sld [smem:$0x3FD0]  }
0x92: {  	s4 =	sld [smem:$0x3FC8]  }
0x93: {  	s5 =	sld [smem:$0x3FC7]  }
0x94: {  	s7 =	simm.s32 $0xA;
	s8 =	simm.s32 $0x10;
	s6 =	sld [smem:$0x3FC6]  }
0x95: {  	[smem:s8], [sflag:s7] =	dma.local [hbm:s16], $0x1  }
0x96: {  	_ =	swait.eq [sflag:s7], $0x1  }
0x97: {  	s17 =	sld [smem:$0x10]  }
0x98: {  	s18 =	sld [smem:$0x11];
	[sflag:s7] =	ssyncset.done $0x0  }
0x99: {  	s9 =	sld [smem:$0x12];
	[sflag:s7] =	ssyncadd.s32 $0xFFFFFFFF  }
0x9a: {  	s19 =	sld [smem:$0x13];
	(tm) =	ssettm $0x1  }
0x9b: {  	s10 =	sld [smem:$0x3FFB];
	_ =	sdelay $0x3  }
0x9c: {  	_ =	strace s10  }
0x9d: {  	s10 =	sld [smem:$0x3FFC];
	_ =	sdelay $0x3  }
0x9e: {  	_ =	strace s10  }
0x9f: {  	s10 =	sld [smem:$0x3FFD];
	_ =	sdelay $0x3  }
0xa0: {  	_ =	strace s10  }
0xa1: {  	_ =	strace $0x8FFFFFFF  }
0xa2: {  	s20 =	sld [smem:$0x3FDB];
	_ =	sdelay $0x1  }
0xa3: {  	s11 =	simm.s32 $_scs_section_size  }
0xa4: {  	s12 =	simm.s32 $_size__tile_overlayer_lowered;
	s13 =	simm.s32 $_tile_overlayer_lowered  }
0xa5: {  	s23 =	simm.s32 $0x1BFF;
	s22 =	sshll.u32 s13, $0x1;
	s10 =	sadd.s32 s11, s20  }
0xa6: {  	s14 =	simm.s32 $0x0;
	s21 =	sshll.u32 s12, $0x1;
	s12 =	sadd.s32 s22, s10  }
0xa7: {  	[timem:s14], [sflag:s23] =	dma.local [hbm:s12], s21  }
0xa8: {  	_ =	swait.ge [sflag:s23], s21  }
0xa9: {  	s11 =	ssub.s32 $0x0, s21;
	[sflag:s23] =	ssyncset.done $0x0  }
0xaa: {  	[sflag:s23] =	ssyncadd.s32 s11;
	_ =	sdelay $0x1  }
0xab: {  	s24 =	simm.s32 $0x1B8B  }
0xac: {  	_ =	swait.ge [sflag:s24], $0x1  }
0xad: {  	[sflag:s24] =	ssyncset.done $0x0  }
0xae: {  	s25 =	simm.s32 $0x1B8E;
	[sflag:s24] =	ssyncadd.s32 $0xFFFFFFFF  }
0xaf: {  	s26 =	simm.s32 $execute0_lowered;
	[smem:$0x3FD2] =	sst s25  }
0xb0: {  	s11 =	sshll.u32 s26, $0x1;
	_ =	strace $0x80000046;
	[dreg:$0x1] =	wrdreg $0xFFFFFFFF  }
0xb1: {  	s28 =	simm.s32 $_size_execute0_lowered;
	s10 =	sadd.s32 s10, s11;
	[dreg:$0x0] =	wrdreg $0x0  }
0xb2: {  	s11 =	sshll.u32 s28, $0x1;
	[dreg:$0x2] =	wrdreg s10  }
0xb3: {  	[dreg:$0x3] =	wrdreg s11  }
0xb4: {  	[dreg:$0x4] =	wrdreg $0xC0  }
0xb5: {  	_ =	task [dreg:s14], $0x5FFFF  }
0xb6: {  	[dreg:$0x1] =	wrdreg $0xFFFFFFFF  }
0xb7: {  	[dreg:$0x0] =	wrdreg $0x60  }
0xb8: {  	[dreg:$0x2] =	wrdreg s4  }
0xb9: {  	[dreg:$0x3] =	wrdreg s5  }
0xba: {  	[dreg:$0x4] =	wrdreg s6  }
0xbb: {  	[dreg:$0x5] =	wrdreg s2  }
0xbc: {  	[dreg:$0x6] =	wrdreg s17  }
0xbd: {  	[dreg:$0x7] =	wrdreg s18  }
0xbe: {  	[dreg:$0x8] =	wrdreg s9  }
0xbf: {  	[dreg:$0x9] =	wrdreg s19  }
0xc0: {  	[dreg:$0xa] =	wrdreg $0x9  }
0xc1: {  	_ =	task.clear_ibuf [dreg:s14], $0xBFFFF;
	_ =	strace $0x90000046  }
0xc2: {  	s29 =	simm.s32 $0x9;
	_ =	strace $0x80000048  }
0xc3: {  	_ =	swait.ge [sflag:s29], $0x1  }
0xc4: {  	[sflag:s29] =	ssyncadd.s32 $0xFFFFFFFF  }
0xc5: {  	_ =	strace $0x90000048  }
0xc6: {  	_ =	sfence  }
0xc7: {  	s30 =	sld [smem:$0x0];
	_ =	sdelay $0x2  }
0xc8: {  	s31 =	sshll.u32 s1, $0xD;
	s1 =	sshrl.u32 s1, $0x2  }
0xc9: {  	s3 =	sand.u32 $0x4000, s31;
	s1 =	sadd.s32 s1, s30  }
0xca: {  	s0 =	sor.u32 s3, s0;
	s1 =	sshll.u32 s1, $0x11  }
0xcb: {  	s0 =	sor.u32 s1, s0  }
0xcc: {  	s0 =	sadd.s32 $0x8F2B, s0  }
0xcd: {  	[sflag:s0] =	ssyncadd.remote.s32 $0x1  }
0xce: {  	_ =	sfence.sel $0xFFFF  }
0xcf: {  	[dreg:$0x0] =	wrdreg $0xFFFFFFFF;
	(pc) =	sbr.abs _section_cstart, $3  }
0xd0: {  	[dreg:$0x1] =	wrdreg $0xFFFFFFFF  }
0xd1: {  	_ =	task.clear_ibuf [dreg:s14], $0x2FFFF;
	_ =	strace $0x9FFFFFFF  }
0xd2: {  	(tm) =	ssettm $0x7FFFFFFF  }
0xd3: {  	_ =	shalt  }
tec
execute0_lowered:
.L_overlay_start_1:
0x0: {  	(tag) =	ssettag $0x1  }
0x1: {  	s0 =	rddreg [dreg:$0x0]  }
0x2: {  	s1 =	rddreg [dreg:$0x1];
	v0 =	vimm.f32 $-1.104761960e+00;
	vm0 =	vcmask $0x300  }
0x3: {  	s2 =	rddreg [dreg:$0x2];
	vm14 =	vcmask $0x704;
	v0 =	vsel vm0, $0xBD088889, v0  }
0x4: {  	s9 =	rddreg [dreg:$0x3];
	vm15 =	vcmask $0xB08;
	v0 =	vsel vm14, $0xBDD68D6A, v0  }
0x5: {  	s10 =	rddreg [dreg:$0x4];
	vm4 =	vcmask $0xF0C;
	v0 =	vsel vm15, $0xBE346B47, v0  }
0x6: {  	s3 =	rddreg [dreg:$0x5];
	vm5 =	vcmask $0x1310;
	v0 =	vsel vm4, $0xBE7D8FDA, v0  }
0x7: {  	s5 =	rddreg [dreg:$0x6];
	vm6 =	vcmask $0x1714;
	v0 =	vsel vm5, $0xBEA35A36, v0  }
0x8: {  	s6 =	rddreg [dreg:$0x7];
	vm7 =	vcmask $0x1B18;
	v0 =	vsel vm6, $0xBEC7EC7F, v0  }
0x9: {  	s4 =	rddreg [dreg:$0x8];
	s11 =	srdreg.scid;
	vm8 =	vcmask $0x1F1C;
	s8 =	simm.s32 $0x0;
	v0 =	vsel vm7, $0xBEEC7EC9, v0  }
0xa: {  	s7 =	stileid.u32;
	vm9 =	vcmask $0x2320;
	s15 =	simm.s32 $0x1;
	s16 =	simm.s32 $0x180;
	v0 =	vsel vm8, $0xBF088889, v0  }
0xb: {  	vm10 =	vcmask $0x2724;
	s17 =	simm.s32 $0x200;
	s18 =	simm.s32 $0x280;
	s19 =	simm.s32 $0x2;
	v0 =	vsel vm9, $0xBF1AD1AE, v0  }
0xc: {  	vm11 =	vcmask $0x2B28;
	s11 =	sand.u32 $0x1, s11;
	[smem:$0x7FF] =	sst s8;
	s13 =	sshll.u32 s7, $0x1;
	v0 =	vsel vm10, $0xBF2D1AD3, v0  }
.Ltmp0:
0xd: {  	vm12 =	vcmask $0x2F2C;
	s31 =	sshll.u32 s7, $0x6;
	s12 =	ssub.s32 $0x2, s11;
	v0 =	vsel vm11, $0xBF3F63F7, v0;
	(pc) =	sbr.rel .LBB2_1-.Ltmp0, $4  }
0xe: {  	vm13 =	vcmask $0x3330;
	_ =	strace $0x80000047;
	s13 =	sor.u32 s11, s13;
	s14 =	sshrl.u32 s12, $0x1;
	v0 =	vsel vm12, $0xBF51AD1C, v0  }
0xf: {  	vm14 =	vcmask $0x3734;
	s11 =	sshll.u32 s13, $0x11;
	p0 =	sne.s32 s13, $0x0;
	s13 =	simm.s32 $0x80;
	v0 =	vsel vm13, $0xBF63F641, v0  }
0x10: {  	vm15 =	vcmask $0x3B38;
	s12 =	ssub.s32 s12, s14;
	s9 =	sadd.s32 s9, s11;
	s10 =	sadd.s32 s10, s11;
	v2 =	vsel vm14, $0xBF763F65, v0  }
0x11: {  	v1 =	vlaneseq.u32;
	s11 =	sor.u32 $0x1C02, s31;
	s14 =	simm.s32 $0x100;
	s12 =	smax.u32 s12, $0x1;
	v0 =	vimm.f32 $0.0e+00;
	v2 =	vsel vm15, $0xBF844444, v2  }
.LBB2_3:
0x12: {  	s12 =	sadd.s32 $0xFFFFFFFF, s12  }
0x13: {  	p1 =	sne.s32 s12, $0x0  }
.Ltmp1:
0x14: {  	_ = 	snop;
	(pc) =	sbr.rel @!p1 .LBB2_4-.Ltmp1, $4  }
0x15: {  	_ = 	snop  }
0x16: {  	_ =	swait.ge [sflag:s19], $0x20000  }
0x17: {  	[sflag:s19] =	ssyncset.done $0x0  }
0x18: {  	[sflag:s19] =	ssyncadd.s32 $0xFFFE0000  }
.LBB2_1:
.Ltmp2:
0x19: {  	(pc) =	sbr.rel @p0 .LBB2_3-.Ltmp2, $2  }
0x1a: {  	_ =	sdelay $0x2  }
0x1b: {  	[hbm:s10], [sflag:s11] =	dma.local [hbm:s9], $0x20000  }
0x1c: {  	[tilespmem:$0x0] =	vst v0  }
0x1d: {  	[tilespmem:$0x80] =	vst v0  }
0x1e: {  	[tilespmem:s8], [sflag:$0x1] =	stream.linear.gather [hbm4b:s1+s8], $0xF, $0x38;
	[tilespmem:$0x300] =	vst v63  }
0x1f: {  	_ = 	snop  }
0x20: {  	[tilespmem:s13], [sflag:$0x1] =	stream.linear.gather [hbm4b:s2+s8], $0xF, $0x38;
	[tilespmem:$0x300] =	vst v63  }
0x21: {  	_ = 	snop  }
0x22: {  	[tilespmem:s14], [sflag:$0x1] =	stream.linear.gather [hbm4b:s0+s8], $0x1, $0x38;
	[tilespmem:$0x300] =	vst v63  }
0x23: {  	_ =	swait.ge [sflag:s15], $0xF  }
0x24: {  	[sflag:s15] =	ssyncset.done $0x0  }
0x25: {  	[sflag:s15] =	ssyncadd.s32 $0xFFFFFFF1  }
0x26: {  	_ =	swait.ge [sflag:s15], $0xF  }
0x27: {  	[sflag:s15] =	ssyncset.done $0x0  }
0x28: {  	[sflag:s15] =	ssyncadd.s32 $0xFFFFFFF1  }
0x29: {  	_ =	swait.ge [sflag:s15], $0x1  }
0x2a: {  	[sflag:s15] =	ssyncset.done $0x0  }
0x2b: {  	[sflag:s15] =	ssyncadd.s32 $0xFFFFFFFF  }
0x2c: {  	v3 =	vld [tilespmem:$0x80];
	_ =	sdelay $0x4  }
0x2d: {  	v4 =	vadd.f32 $9.999999930e-09, v3;
	_ =	sdelay $0x1  }
0x2e: {  	(erf) = vrcp.f32 v4;
	_ =	sdelay $0x4  }
0x2f: {  	vm0 =	veq.s32 v1, $0xF;
	v59 =	vld [tilespmem:$0x0]  }
0x30: {  	v5 =	vsel vm0, $0x0, v3  }
0x31: {  	(xrf2) =	vadd.scan.msk.f32 $0xffff, v5;
	_ =	sdelay $0x1  }
0x32: {  	v60 =	vpop (erf)  }
0x33: {  	v4 =	vmul.f32 v60, v59;
	_ =	sdelay $0x1  }
0x34: {  	v5 =	vadd.f32 v2, v4;
	_ =	sdelay $0x1  }
0x35: {  	v5 =	vand.u32 $0x7FFFFFFF, v5  }
0x36: {  	v3 =	vmul.f32 v5, v3;
	_ =	sdelay $0x1  }
0x37: {  	v61, _, _ =	vpop (xrf2);
	v3 =	vsel vm0, $0x0, v3  }
0x38: {  	(xrf2) =	vadd.scan.msk.f32 $0xffff, v3;
	v3 =	vbroadcast v61, $0xF;
	_ =	sdelay $0x1  }
0x39: {  	v5 =	vmax.f32 v3, $9.999999930e-09  }
0x3a: {  	(erf) = vrcp.f32 v5;
	_ =	sdelay $0x6  }
0x3b: {  	v6 =	vld [tilespmem:$0x100];
	v62, _, _ =	vpop (xrf2)  }
0x3c: {  	v5 =	vbroadcast v62, $0xF  }
0x3d: {  	v7 =	vpop (erf)  }
0x3e: {  	v5 =	vmul.f32 v5, v7  }
0x3f: {  	vm15 =	vgt.f32 v3, $0.0e+00  }
0x40: {  	v63 =	vmax.f32 v6, $1.000000010e-01;
	[tilespmem:$0x180] =	vst v4;
	v3 =	vnsel vm15, $0x0, v5  }
0x41: {  	[tilespmem:$0x200] =	vst v3;
	v3 =	vmin.f32 v63, $1.000000000e+01  }
0x42: {  	[tilespmem:$0x280] =	vst v3  }
0x43: {  	[hbm4b:s6+s8] =	stream.linear.scatter [tilespmem:s16], [sflag:$0x1], $0xF, $0x38;
	[tilespmem:$0x300] =	vst v63  }
0x44: {  	_ = 	snop  }
0x45: {  	[hbm4b:s3+s8] =	stream.linear.scatter [tilespmem:s17], [sflag:$0x1], $0x1, $0x38;
	[tilespmem:$0x300] =	vst v63  }
0x46: {  	_ = 	snop  }
0x47: {  	[hbm4b:s5+s8] =	stream.linear.scatter [tilespmem:s18], [sflag:$0x1], $0x1, $0x38;
	[tilespmem:$0x300] =	vst v63  }
0x48: {  	_ =	swait.ge [sflag:s15], $0xF  }
0x49: {  	[sflag:s15] =	ssyncset.done $0x0  }
0x4a: {  	[sflag:s15] =	ssyncadd.s32 $0xFFFFFFF1  }
0x4b: {  	_ =	swait.ge [sflag:s15], $0x1  }
.Ltmp3:
0x4c: {  	[sflag:s15] =	ssyncset.done $0x0;
	(pc) =	sbr.rel .LBB2_3-.Ltmp3, $4  }
0x4d: {  	[sflag:s15] =	ssyncadd.s32 $0xFFFFFFFF  }
0x4e: {  	_ =	swait.ge [sflag:s15], $0x1  }
0x4f: {  	[sflag:s15] =	ssyncset.done $0x0  }
0x50: {  	[sflag:s15] =	ssyncadd.s32 $0xFFFFFFFF  }
.LBB2_4:
0x51: {  	_ =	sfence.sel $0x180000  }
0x52: {  	[bflag:$0x0] =	sbarrier.arrive $0xFFFF  }
0x53: {  	p0 =	sne.s32 s7, $0x0;
	_ =	strace $0x90000047  }
0x54: {  	s0 =	sadd.s32 @!p0 $0x100000, s4;
	[bflag:$0x2] =	sbarrier.arrive $0xFFFF  }
0x55: {  	[sflag:s0] =	ssyncadd.tile.s32 @!p0 $0x1;
	_ =	shalt  }
.Lfunc_end2:
_tile_overlayer_lowered:
.L_overlay_start_2:
0x56: {  	(tag) =	ssettag $0x2  }
0x57: {  	s0 =	rddreg [dreg:$0x0];
	s2 =	stileid.u32  }
0x58: {  	s1 =	rddreg [dreg:$0x1];
	p0 =	sne.s32 s2, $0x0  }
0x59: {  	s3 =	rddreg [dreg:$0x2];
	[bflag:$0x3] =	sbarrier.arrive $0xFFFF;
	s2 =	simm.s32 @!p0 $0x1C03  }
0x5a: {  	[timem:s3], [sflag:s2] =	dma.local @!p0 [hbm:s0], s1  }
0x5b: {  	s0 =	simm.s32 @!p0 $0x3  }
0x5c: {  	_ =	swait.ge @!p0 [sflag:s0], s1  }
0x5d: {  	s1 =	ssub.s32 @!p0 $0x0, s1;
	[sflag:s0] =	ssyncset.done @!p0 $0x0  }
0x5e: {  	[sflag:s0] =	ssyncadd.s32 @!p0 s1  }
0x5f: {  	[bflag:$0x3] =	sbarrier.arrive $0xFFFF  }
0x60: {  	_ =	shalt  }

</sc_bundles>
